<compile_context>
chip_gen: v7x
topology: tpu7x:2x2x1
jax: 0.10.2.dev20260603
libtpu: 0.0.44.dev20260713+nightly
codegen_flags: <defaults>
</compile_context>

<pallas_src>
import functools

import jax
import jax.numpy as jnp
from jax import lax
from jax.experimental import pallas as pl
from jax.experimental.pallas import tpu as pltpu
from jax.experimental.pallas import tpu_sc as plsc

_BSZ, _SEQ, _DIN, _DOUT, _E, _K, _R = 4, 2048, 768, 768, 64, 8, 16
_KR = _K * _R


def _sc_gather_body(rows_hbm, apt_hbm, bp_hbm, acat_hbm, bcat_hbm,
                    rows_v, a_rows, b_rows, sem):
    c = lax.axis_index("c")
    s = lax.axis_index("s")
    wid = s * 2 + c
    pltpu.sync_copy(rows_hbm.at[pl.ds(wid * _R, _R)], rows_v)
    pltpu.async_copy(apt_hbm.at[rows_v], a_rows, sem).wait()
    pltpu.sync_copy(a_rows, acat_hbm.at[pl.ds(wid * _R, _R)])
    pltpu.async_copy(bp_hbm.at[rows_v], b_rows, sem).wait()
    pltpu.sync_copy(b_rows, bcat_hbm.at[pl.ds(wid * _R, _R)])


_sc_gather = functools.partial(
    pl.kernel,
    mesh=plsc.VectorSubcoreMesh(core_axis_name="c", subcore_axis_name="s"),
    out_type=(
        jax.ShapeDtypeStruct((_BSZ * _KR, _DIN), jnp.float32),
        jax.ShapeDtypeStruct((_BSZ * _KR, _DOUT), jnp.float32),
    ),
    scratch_types=[
        pltpu.VMEM((_R,), jnp.int32),
        pltpu.VMEM((_R, _DIN), jnp.float32),
        pltpu.VMEM((_R, _DOUT), jnp.float32),
        pltpu.SemaphoreType.DMA,
    ],
)(_sc_gather_body)


def _moelora_body(idx_ref, attn_ref, x_ref, wt_ref, b_ref, acat_ref, bcat_ref,
                  bias_ref, out_ref):
    bi = pl.program_id(0)
    bias_acc = b_ref[:]
    scale_parts = []
    for k in range(_K):
        e = idx_ref[bi, k]
        w = attn_ref[bi, k]
        scale_parts.append(jnp.full((_R, 1), w, jnp.float32))
        bias_acc = bias_acc + w * bias_ref[pl.ds(e, 1), :]
    scale = jnp.concatenate(scale_parts, axis=0)
    acat_t = acat_ref[0]
    bcat = bcat_ref[0] * scale
    delta = jax.lax.dot_general(
        acat_t.astype(jnp.bfloat16), bcat.astype(jnp.bfloat16),
        (((0,), (0,)), ((), ())),
        preferred_element_type=jnp.float32)
    m = (wt_ref[:] + delta).astype(jnp.bfloat16)
    out_ref[0] = jnp.dot(x_ref[0].astype(jnp.bfloat16), m,
                         preferred_element_type=jnp.float32) + bias_acc


def _tc_run(x, attn, idx, wt, b2, acat, bcat, bias_pool):
    return pl.pallas_call(
        _moelora_body,
        grid=(_BSZ,),
        in_specs=[
            pl.BlockSpec(memory_space=pltpu.SMEM),
            pl.BlockSpec(memory_space=pltpu.SMEM),
            pl.BlockSpec((1, _SEQ, _DIN), lambda i: (i, 0, 0)),
            pl.BlockSpec((_DIN, _DOUT), lambda i: (0, 0)),
            pl.BlockSpec((1, _DOUT), lambda i: (0, 0)),
            pl.BlockSpec((1, _KR, _DIN), lambda i: (i, 0, 0)),
            pl.BlockSpec((1, _KR, _DOUT), lambda i: (i, 0, 0)),
            pl.BlockSpec((_E, _DOUT), lambda i: (0, 0)),
        ],
        out_specs=pl.BlockSpec((1, _SEQ, _DOUT), lambda i: (i, 0, 0)),
        out_shape=jax.ShapeDtypeStruct((_BSZ, _SEQ, _DOUT), jnp.float32),
    )(idx, attn, x, wt, b2, acat, bcat, bias_pool)


@jax.jit
def _run(x, attn, idx, wt, b2, apt2, bp2, bias_pool):
    rows = (idx.reshape(_BSZ * _K, 1) * _R
            + jnp.arange(_R, dtype=jnp.int32)).reshape(_BSZ * _K * _R)
    acat2, bcat2 = _sc_gather(rows, apt2, bp2)
    acat = acat2.reshape(_BSZ, _KR, _DIN)
    bcat = bcat2.reshape(_BSZ, _KR, _DOUT)
    return _tc_run(x, attn, idx, wt, b2, acat, bcat, bias_pool)


def kernel(x, topk_attn, topk_idx, W, b, A_pool, B_pool, bias_pool):
    wt = W.T
    apt2 = A_pool.transpose(0, 2, 1).reshape(_E * _R, _DIN)
    bp2 = B_pool.reshape(_E * _R, _DOUT)
    b2 = b.reshape(1, _DOUT)
    idx = topk_idx.astype(jnp.int32)
    return _run(x, topk_attn, idx, wt, b2, apt2, bp2, bias_pool)

# --- scband reference (transcript-rebuilt; emitter-appended) ---
"""Pipeline reference for scband-mo-elo-ra-3805341024604 (READ-ONLY COPY).

The authoritative reference and input builder live on the scoring server;
editing this copy changes nothing except your own understanding.
"""

import jax, jax.numpy as jnp
import numpy as np

BSZ, SEQ, D_IN, D_OUT, E, K, R = 4, 2048, 768, 768, 64, 8, 16
SCALE = 16.0 / 16.0


def setup_inputs(seed: int = 0) -> dict:
    key = jax.random.key(seed)
    ks = jax.random.split(key, 8)
    x = jax.random.normal(ks[0], (BSZ, SEQ, D_IN), dtype=jnp.float32)
    topk_attn = jax.random.uniform(ks[1], (BSZ, K), dtype=jnp.float32)
    topk_idx = jax.random.randint(ks[2], (BSZ, K), 0, E)
    # base projection parameters (nn.Linear(768, 768))
    W = jax.random.normal(ks[3], (D_OUT, D_IN), dtype=jnp.float32) * 0.02
    b = jnp.zeros((D_OUT,), dtype=jnp.float32)
    # expert pools (kaiming-uniform-like for A; B normally zero-init but use small
    # random values so the LoRA path contributes numerically)
    bound_a = float(np.sqrt(6.0 / D_IN))
    A_pool = jax.random.uniform(ks[4], (E, D_IN, R), dtype=jnp.float32, minval=-bound_a, maxval=bound_a)
    B_pool = jax.random.normal(ks[5], (E, R, D_OUT), dtype=jnp.float32) * 0.01
    bias_pool = jax.random.normal(ks[6], (E, D_OUT), dtype=jnp.float32) * 0.01
    return {
        "x": x,
        "topk_attn": topk_attn,
        "topk_idx": topk_idx,
        "W": W,
        "b": b,
        "A_pool": A_pool,
        "B_pool": B_pool,
        "bias_pool": bias_pool,
    }


def reference(x, topk_attn, topk_idx, W, b, A_pool, B_pool, bias_pool):
    # orig = F.linear(x, W, b)
    orig = jnp.einsum('bni,oi->bno', x, W) + b
    # merge_AB == 'output', all experts unfrozen, dropout = 0 (eval)
    A = jnp.take(A_pool, topk_idx, axis=0)        # [b, k, in, r]
    B = jnp.take(B_pool, topk_idx, axis=0)        # [b, k, r, out]
    mask = (topk_attn == 0)
    A = jnp.where(mask[:, :, None, None], 0.0, A)
    B = jnp.where(mask[:, :, None, None], 0.0, B)
    outputs = jnp.einsum('bni,bkir,bkro->bnko', x, A, B)
    weighted_output = jnp.einsum('bnko,bk->bno', outputs, topk_attn)
    orig = orig + SCALE * weighted_output
    b_exp = jnp.take(bias_pool, topk_idx, axis=0)  # [b, k, out]
    bias_term = jnp.einsum('bko,bk->bo', b_exp, topk_attn)[:, None, :]
    orig = orig + SCALE * bias_term
    return orig

if __name__ == "__main__":
    import jax
    _d = setup_inputs()
    print(jax.jit(kernel)(*tuple(_d.values())))

</pallas_src>

<mosaic_0001>
#map = affine_map<(d0, d1) -> (0)>
#map1 = affine_map<(d0, d1) -> (0, 0)>
module attributes {stable_mosaic.version = 14 : i64} {
  func.func @_sc_gather_body(%arg0: i32, %arg1: i32, %arg2: memref<512xi32, #tpu.memory_space<hbm>>, %arg3: memref<1024x768xf32, #tpu.memory_space<hbm>>, %arg4: memref<1024x768xf32, #tpu.memory_space<hbm>>, %arg5: memref<512x768xf32, #tpu.memory_space<hbm>>, %arg6: memref<512x768xf32, #tpu.memory_space<hbm>>, %arg7: memref<16xi32, #tpu.memory_space<vmem>>, %arg8: memref<16x768xf32, #tpu.memory_space<vmem>>, %arg9: memref<16x768xf32, #tpu.memory_space<vmem>>, %arg10: memref<!tpu.dma_semaphore, #tpu.memory_space<semaphore_mem>>) attributes {dimension_semantics = [#tpu.dimension_semantics<core_parallel>, #tpu.dimension_semantics<subcore_parallel>], iteration_bounds = array<i64: 2, 16>, scalar_prefetch = 0 : i64, scratch_operands = 4 : i64, tpu.core_type = #tpu.core_type<sc_vector_subcore>, window_params = [{transform_indices = #map}, {transform_indices = #map1}, {transform_indices = #map1}, {transform_indices = #map1}, {transform_indices = #map1}]} {
    %mul3A = arith.constant 2 : i32
    %mul3A_0 = arith.muli %arg1, %mul3A : i32
    %add3A = arith.addi %mul3A_0, %arg0 : i32
    %mul3A_1 = arith.constant 16 : i32
    %mul3A_2 = arith.muli %add3A, %mul3A_1 : i32
    "tpu.region"() ({
      %run_scoped3A = tpu.sem_alloc : memref<!tpu.dma_semaphore, #tpu.memory_space<semaphore_mem>>
      %dma_start3A_17 = tpu.memref_slice %arg2[%mul3A_2] : memref<512xi32, #tpu.memory_space<hbm>> -> memref<16xi32, #tpu.memory_space<hbm>>
      %dma_start3A_18 = tpu.memref_slice %arg2[%mul3A_2] : memref<512xi32, #tpu.memory_space<hbm>> -> memref<16xi32, #tpu.memory_space<hbm>>
      tpu.enqueue_dma source(%dma_start3A_18 : memref<16xi32, #tpu.memory_space<hbm>>) target(%arg7 : memref<16xi32, #tpu.memory_space<vmem>>) target_semaphore(%run_scoped3A : memref<!tpu.dma_semaphore, #tpu.memory_space<semaphore_mem>>)
      %dma_wait3A_19 = tpu.memref_slice %arg2[%mul3A_2] : memref<512xi32, #tpu.memory_space<hbm>> -> memref<16xi32, #tpu.memory_space<hbm>>
      %dma_wait3A_20 = tpu.memref_slice %arg2[%mul3A_2] : memref<512xi32, #tpu.memory_space<hbm>> -> memref<16xi32, #tpu.memory_space<hbm>>
      tpu.wait_dma2 semaphore(%run_scoped3A : memref<!tpu.dma_semaphore, #tpu.memory_space<semaphore_mem>>) src(%dma_wait3A_20 : memref<16xi32, #tpu.memory_space<hbm>>) dst(%arg7 : memref<16xi32, #tpu.memory_space<vmem>>)
      tpu.yield
    }) : () -> ()
    %dma_start3A = arith.constant 0 : i32
    %dma_start3A_3 = arith.constant 0 : i32
    %dma_start3A_4 = tpu.memref_slice %arg3[%dma_start3A, %dma_start3A_3] : memref<1024x768xf32, #tpu.memory_space<hbm>> -> memref<1024x768xf32, #tpu.memory_space<hbm>>
    tpu.enqueue_indirect_dma source(%dma_start3A_4 : memref<1024x768xf32, #tpu.memory_space<hbm>>) target(%arg8 : memref<16x768xf32, #tpu.memory_space<vmem>>) offsets(%arg7 : memref<16xi32, #tpu.memory_space<vmem>>) semaphore(%arg10 : memref<!tpu.dma_semaphore, #tpu.memory_space<semaphore_mem>>)
    %dma_wait3A = arith.constant 0 : i32
    %dma_wait3A_5 = arith.constant 0 : i32
    %dma_wait3A_6 = tpu.memref_slice %arg3[%dma_wait3A, %dma_wait3A_5] : memref<1024x768xf32, #tpu.memory_space<hbm>> -> memref<1024x768xf32, #tpu.memory_space<hbm>>
    tpu.wait_indirect_dma semaphore(%arg10 : memref<!tpu.dma_semaphore, #tpu.memory_space<semaphore_mem>>) src(%dma_wait3A_6 : memref<1024x768xf32, #tpu.memory_space<hbm>>) dst(%arg8 : memref<16x768xf32, #tpu.memory_space<vmem>>)
    %mul3A_7 = arith.constant 16 : i32
    %mul3A_8 = arith.muli %add3A, %mul3A_7 : i32
    "tpu.region"() ({
      %run_scoped3A = tpu.sem_alloc : memref<!tpu.dma_semaphore, #tpu.memory_space<semaphore_mem>>
      %dma_start3A_17 = arith.constant 0 : i32
      %dma_start3A_18 = tpu.memref_slice %arg5[%mul3A_8, %dma_start3A_17] : memref<512x768xf32, #tpu.memory_space<hbm>> -> memref<16x768xf32, #tpu.memory_space<hbm>>
      %dma_start3A_19 = arith.constant 0 : i32
      %dma_start3A_20 = tpu.memref_slice %arg5[%mul3A_8, %dma_start3A_19] : memref<512x768xf32, #tpu.memory_space<hbm>> -> memref<16x768xf32, #tpu.memory_space<hbm>>
      tpu.enqueue_dma source(%arg8 : memref<16x768xf32, #tpu.memory_space<vmem>>) target(%dma_start3A_20 : memref<16x768xf32, #tpu.memory_space<hbm>>) target_semaphore(%run_scoped3A : memref<!tpu.dma_semaphore, #tpu.memory_space<semaphore_mem>>)
      %dma_wait3A_21 = arith.constant 0 : i32
      %dma_wait3A_22 = tpu.memref_slice %arg5[%mul3A_8, %dma_wait3A_21] : memref<512x768xf32, #tpu.memory_space<hbm>> -> memref<16x768xf32, #tpu.memory_space<hbm>>
      %dma_wait3A_23 = arith.constant 0 : i32
      %dma_wait3A_24 = tpu.memref_slice %arg5[%mul3A_8, %dma_wait3A_23] : memref<512x768xf32, #tpu.memory_space<hbm>> -> memref<16x768xf32, #tpu.memory_space<hbm>>
      tpu.wait_dma2 semaphore(%run_scoped3A : memref<!tpu.dma_semaphore, #tpu.memory_space<semaphore_mem>>) src(%arg8 : memref<16x768xf32, #tpu.memory_space<vmem>>) dst(%dma_wait3A_24 : memref<16x768xf32, #tpu.memory_space<hbm>>)
      tpu.yield
    }) : () -> ()
    %dma_start3A_9 = arith.constant 0 : i32
    %dma_start3A_10 = arith.constant 0 : i32
    %dma_start3A_11 = tpu.memref_slice %arg4[%dma_start3A_9, %dma_start3A_10] : memref<1024x768xf32, #tpu.memory_space<hbm>> -> memref<1024x768xf32, #tpu.memory_space<hbm>>
    tpu.enqueue_indirect_dma source(%dma_start3A_11 : memref<1024x768xf32, #tpu.memory_space<hbm>>) target(%arg9 : memref<16x768xf32, #tpu.memory_space<vmem>>) offsets(%arg7 : memref<16xi32, #tpu.memory_space<vmem>>) semaphore(%arg10 : memref<!tpu.dma_semaphore, #tpu.memory_space<semaphore_mem>>)
    %dma_wait3A_12 = arith.constant 0 : i32
    %dma_wait3A_13 = arith.constant 0 : i32
    %dma_wait3A_14 = tpu.memref_slice %arg4[%dma_wait3A_12, %dma_wait3A_13] : memref<1024x768xf32, #tpu.memory_space<hbm>> -> memref<1024x768xf32, #tpu.memory_space<hbm>>
    tpu.wait_indirect_dma semaphore(%arg10 : memref<!tpu.dma_semaphore, #tpu.memory_space<semaphore_mem>>) src(%dma_wait3A_14 : memref<1024x768xf32, #tpu.memory_space<hbm>>) dst(%arg9 : memref<16x768xf32, #tpu.memory_space<vmem>>)
    %mul3A_15 = arith.constant 16 : i32
    %mul3A_16 = arith.muli %add3A, %mul3A_15 : i32
    "tpu.region"() ({
      %run_scoped3A = tpu.sem_alloc : memref<!tpu.dma_semaphore, #tpu.memory_space<semaphore_mem>>
      %dma_start3A_17 = arith.constant 0 : i32
      %dma_start3A_18 = tpu.memref_slice %arg6[%mul3A_16, %dma_start3A_17] : memref<512x768xf32, #tpu.memory_space<hbm>> -> memref<16x768xf32, #tpu.memory_space<hbm>>
      %dma_start3A_19 = arith.constant 0 : i32
      %dma_start3A_20 = tpu.memref_slice %arg6[%mul3A_16, %dma_start3A_19] : memref<512x768xf32, #tpu.memory_space<hbm>> -> memref<16x768xf32, #tpu.memory_space<hbm>>
      tpu.enqueue_dma source(%arg9 : memref<16x768xf32, #tpu.memory_space<vmem>>) target(%dma_start3A_20 : memref<16x768xf32, #tpu.memory_space<hbm>>) target_semaphore(%run_scoped3A : memref<!tpu.dma_semaphore, #tpu.memory_space<semaphore_mem>>)
      %dma_wait3A_21 = arith.constant 0 : i32
      %dma_wait3A_22 = tpu.memref_slice %arg6[%mul3A_16, %dma_wait3A_21] : memref<512x768xf32, #tpu.memory_space<hbm>> -> memref<16x768xf32, #tpu.memory_space<hbm>>
      %dma_wait3A_23 = arith.constant 0 : i32
      %dma_wait3A_24 = tpu.memref_slice %arg6[%mul3A_16, %dma_wait3A_23] : memref<512x768xf32, #tpu.memory_space<hbm>> -> memref<16x768xf32, #tpu.memory_space<hbm>>
      tpu.wait_dma2 semaphore(%run_scoped3A : memref<!tpu.dma_semaphore, #tpu.memory_space<semaphore_mem>>) src(%arg9 : memref<16x768xf32, #tpu.memory_space<vmem>>) dst(%dma_wait3A_24 : memref<16x768xf32, #tpu.memory_space<hbm>>)
      tpu.yield
    }) : () -> ()
    return
  }
}

module attributes {stable_mosaic.version = 14 : i64} {
  func.func @_moelora_body(%arg0: i32, %arg1: memref<4x8xi32, #tpu.memory_space<smem>>, %arg2: memref<4x8xf32, #tpu.memory_space<smem>>, %arg3: memref<1x2048x768xf32, #tpu.memory_space<vmem>>, %arg4: memref<768x768xf32, #tpu.memory_space<vmem>>, %arg5: memref<1x768xf32, #tpu.memory_space<vmem>>, %arg6: memref<1x128x768xf32, #tpu.memory_space<vmem>>, %arg7: memref<1x128x768xf32, #tpu.memory_space<vmem>>, %arg8: memref<64x768xf32, #tpu.memory_space<vmem>>, %arg9: memref<1x2048x768xf32, #tpu.memory_space<vmem>>) attributes {dimension_semantics = [#tpu.dimension_semantics<arbitrary>], iteration_bounds = array<i64: 4>, scalar_prefetch = 0 : i64, scratch_operands = 0 : i64, tpu.core_type = #tpu.core_type<tc>, window_params = [{transform_indices = @transform_0, window_bounds = array<i64: 4, 8>}, {transform_indices = @transform_1, window_bounds = array<i64: 4, 8>}, {transform_indices = @transform_2, window_bounds = array<i64: 1, 2048, 768>}, {pipeline_mode = #tpu.pipeline_mode<synchronous>, transform_indices = @transform_3, window_bounds = array<i64: 768, 768>}, {pipeline_mode = #tpu.pipeline_mode<synchronous>, transform_indices = @transform_4, window_bounds = array<i64: 1, 768>}, {transform_indices = @transform_5, window_bounds = array<i64: 1, 128, 768>}, {transform_indices = @transform_6, window_bounds = array<i64: 1, 128, 768>}, {pipeline_mode = #tpu.pipeline_mode<synchronous>, transform_indices = @transform_7, window_bounds = array<i64: 64, 768>}, {transform_indices = @transform_8, window_bounds = array<i64: 1, 2048, 768>}]} {
    %get3A = arith.constant 0 : index
    %get3A_0 = arith.constant 0 : index
    %get3A_1 = vector.load %arg5[%get3A, %get3A_0] : memref<1x768xf32, #tpu.memory_space<vmem>>, vector<1x768xf32>
    %get3A_2 = arith.index_cast %arg0 : i32 to index
    %get3A_3 = arith.constant 0 : index
    %get3A_4 = memref.load %arg1[%get3A_2, %get3A_3] : memref<4x8xi32, #tpu.memory_space<smem>>
    %get3A_5 = arith.index_cast %arg0 : i32 to index
    %get3A_6 = arith.constant 0 : index
    %get3A_7 = memref.load %arg2[%get3A_5, %get3A_6] : memref<4x8xf32, #tpu.memory_space<smem>>
    %broadcast_in_dim3A = vector.broadcast %get3A_7 : f32 to vector<16x1xf32>
    %get3A_8 = arith.index_cast %get3A_4 : i32 to index
    %get3A_9 = arith.constant 0 : index
    %get3A_10 = vector.load %arg8[%get3A_8, %get3A_9] : memref<64x768xf32, #tpu.memory_space<vmem>>, vector<1x768xf32>
    %mul3A = vector.broadcast %get3A_7 : f32 to vector<1x768xf32>
    %mul3A_11 = arith.mulf %mul3A, %get3A_10 : vector<1x768xf32>
    %add3A = arith.addf %get3A_1, %mul3A_11 : vector<1x768xf32>
    %get3A_12 = arith.index_cast %arg0 : i32 to index
    %get3A_13 = arith.constant 1 : index
    %get3A_14 = memref.load %arg1[%get3A_12, %get3A_13] : memref<4x8xi32, #tpu.memory_space<smem>>
    %get3A_15 = arith.index_cast %arg0 : i32 to index
    %get3A_16 = arith.constant 1 : index
    %get3A_17 = memref.load %arg2[%get3A_15, %get3A_16] : memref<4x8xf32, #tpu.memory_space<smem>>
    %broadcast_in_dim3A_18 = vector.broadcast %get3A_17 : f32 to vector<16x1xf32>
    %get3A_19 = arith.index_cast %get3A_14 : i32 to index
    %get3A_20 = arith.constant 0 : index
    %get3A_21 = vector.load %arg8[%get3A_19, %get3A_20] : memref<64x768xf32, #tpu.memory_space<vmem>>, vector<1x768xf32>
    %mul3A_22 = vector.broadcast %get3A_17 : f32 to vector<1x768xf32>
    %mul3A_23 = arith.mulf %mul3A_22, %get3A_21 : vector<1x768xf32>
    %add3A_24 = arith.addf %add3A, %mul3A_23 : vector<1x768xf32>
    %get3A_25 = arith.index_cast %arg0 : i32 to index
    %get3A_26 = arith.constant 2 : index
    %get3A_27 = memref.load %arg1[%get3A_25, %get3A_26] : memref<4x8xi32, #tpu.memory_space<smem>>
    %get3A_28 = arith.index_cast %arg0 : i32 to index
    %get3A_29 = arith.constant 2 : index
    %get3A_30 = memref.load %arg2[%get3A_28, %get3A_29] : memref<4x8xf32, #tpu.memory_space<smem>>
    %broadcast_in_dim3A_31 = vector.broadcast %get3A_30 : f32 to vector<16x1xf32>
    %get3A_32 = arith.index_cast %get3A_27 : i32 to index
    %get3A_33 = arith.constant 0 : index
    %get3A_34 = vector.load %arg8[%get3A_32, %get3A_33] : memref<64x768xf32, #tpu.memory_space<vmem>>, vector<1x768xf32>
    %mul3A_35 = vector.broadcast %get3A_30 : f32 to vector<1x768xf32>
    %mul3A_36 = arith.mulf %mul3A_35, %get3A_34 : vector<1x768xf32>
    %add3A_37 = arith.addf %add3A_24, %mul3A_36 : vector<1x768xf32>
    %get3A_38 = arith.index_cast %arg0 : i32 to index
    %get3A_39 = arith.constant 3 : index
    %get3A_40 = memref.load %arg1[%get3A_38, %get3A_39] : memref<4x8xi32, #tpu.memory_space<smem>>
    %get3A_41 = arith.index_cast %arg0 : i32 to index
    %get3A_42 = arith.constant 3 : index
    %get3A_43 = memref.load %arg2[%get3A_41, %get3A_42] : memref<4x8xf32, #tpu.memory_space<smem>>
    %broadcast_in_dim3A_44 = vector.broadcast %get3A_43 : f32 to vector<16x1xf32>
    %get3A_45 = arith.index_cast %get3A_40 : i32 to index
    %get3A_46 = arith.constant 0 : index
    %get3A_47 = vector.load %arg8[%get3A_45, %get3A_46] : memref<64x768xf32, #tpu.memory_space<vmem>>, vector<1x768xf32>
    %mul3A_48 = vector.broadcast %get3A_43 : f32 to vector<1x768xf32>
    %mul3A_49 = arith.mulf %mul3A_48, %get3A_47 : vector<1x768xf32>
    %add3A_50 = arith.addf %add3A_37, %mul3A_49 : vector<1x768xf32>
    %get3A_51 = arith.index_cast %arg0 : i32 to index
    %get3A_52 = arith.constant 4 : index
    %get3A_53 = memref.load %arg1[%get3A_51, %get3A_52] : memref<4x8xi32, #tpu.memory_space<smem>>
    %get3A_54 = arith.index_cast %arg0 : i32 to index
    %get3A_55 = arith.constant 4 : index
    %get3A_56 = memref.load %arg2[%get3A_54, %get3A_55] : memref<4x8xf32, #tpu.memory_space<smem>>
    %broadcast_in_dim3A_57 = vector.broadcast %get3A_56 : f32 to vector<16x1xf32>
    %get3A_58 = arith.index_cast %get3A_53 : i32 to index
    %get3A_59 = arith.constant 0 : index
    %get3A_60 = vector.load %arg8[%get3A_58, %get3A_59] : memref<64x768xf32, #tpu.memory_space<vmem>>, vector<1x768xf32>
    %mul3A_61 = vector.broadcast %get3A_56 : f32 to vector<1x768xf32>
    %mul3A_62 = arith.mulf %mul3A_61, %get3A_60 : vector<1x768xf32>
    %add3A_63 = arith.addf %add3A_50, %mul3A_62 : vector<1x768xf32>
    %get3A_64 = arith.index_cast %arg0 : i32 to index
    %get3A_65 = arith.constant 5 : index
    %get3A_66 = memref.load %arg1[%get3A_64, %get3A_65] : memref<4x8xi32, #tpu.memory_space<smem>>
    %get3A_67 = arith.index_cast %arg0 : i32 to index
    %get3A_68 = arith.constant 5 : index
    %get3A_69 = memref.load %arg2[%get3A_67, %get3A_68] : memref<4x8xf32, #tpu.memory_space<smem>>
    %broadcast_in_dim3A_70 = vector.broadcast %get3A_69 : f32 to vector<16x1xf32>
    %get3A_71 = arith.index_cast %get3A_66 : i32 to index
    %get3A_72 = arith.constant 0 : index
    %get3A_73 = vector.load %arg8[%get3A_71, %get3A_72] : memref<64x768xf32, #tpu.memory_space<vmem>>, vector<1x768xf32>
    %mul3A_74 = vector.broadcast %get3A_69 : f32 to vector<1x768xf32>
    %mul3A_75 = arith.mulf %mul3A_74, %get3A_73 : vector<1x768xf32>
    %add3A_76 = arith.addf %add3A_63, %mul3A_75 : vector<1x768xf32>
    %get3A_77 = arith.index_cast %arg0 : i32 to index
    %get3A_78 = arith.constant 6 : index
    %get3A_79 = memref.load %arg1[%get3A_77, %get3A_78] : memref<4x8xi32, #tpu.memory_space<smem>>
    %get3A_80 = arith.index_cast %arg0 : i32 to index
    %get3A_81 = arith.constant 6 : index
    %get3A_82 = memref.load %arg2[%get3A_80, %get3A_81] : memref<4x8xf32, #tpu.memory_space<smem>>
    %broadcast_in_dim3A_83 = vector.broadcast %get3A_82 : f32 to vector<16x1xf32>
    %get3A_84 = arith.index_cast %get3A_79 : i32 to index
    %get3A_85 = arith.constant 0 : index
    %get3A_86 = vector.load %arg8[%get3A_84, %get3A_85] : memref<64x768xf32, #tpu.memory_space<vmem>>, vector<1x768xf32>
    %mul3A_87 = vector.broadcast %get3A_82 : f32 to vector<1x768xf32>
    %mul3A_88 = arith.mulf %mul3A_87, %get3A_86 : vector<1x768xf32>
    %add3A_89 = arith.addf %add3A_76, %mul3A_88 : vector<1x768xf32>
    %get3A_90 = arith.index_cast %arg0 : i32 to index
    %get3A_91 = arith.constant 7 : index
    %get3A_92 = memref.load %arg1[%get3A_90, %get3A_91] : memref<4x8xi32, #tpu.memory_space<smem>>
    %get3A_93 = arith.index_cast %arg0 : i32 to index
    %get3A_94 = arith.constant 7 : index
    %get3A_95 = memref.load %arg2[%get3A_93, %get3A_94] : memref<4x8xf32, #tpu.memory_space<smem>>
    %broadcast_in_dim3A_96 = vector.broadcast %get3A_95 : f32 to vector<16x1xf32>
    %get3A_97 = arith.index_cast %get3A_92 : i32 to index
    %get3A_98 = arith.constant 0 : index
    %get3A_99 = vector.load %arg8[%get3A_97, %get3A_98] : memref<64x768xf32, #tpu.memory_space<vmem>>, vector<1x768xf32>
    %mul3A_100 = vector.broadcast %get3A_95 : f32 to vector<1x768xf32>
    %mul3A_101 = arith.mulf %mul3A_100, %get3A_99 : vector<1x768xf32>
    %add3A_102 = arith.addf %add3A_89, %mul3A_101 : vector<1x768xf32>
    %concatenate3A = tpu.concatenate %broadcast_in_dim3A, %broadcast_in_dim3A_18, %broadcast_in_dim3A_31, %broadcast_in_dim3A_44, %broadcast_in_dim3A_57, %broadcast_in_dim3A_70, %broadcast_in_dim3A_83, %broadcast_in_dim3A_96 in 0 : vector<16x1xf32>, vector<16x1xf32>, vector<16x1xf32>, vector<16x1xf32>, vector<16x1xf32>, vector<16x1xf32>, vector<16x1xf32>, vector<16x1xf32> -> vector<128x1xf32>
    %get3A_103 = arith.constant 0 : index
    %get3A_104 = arith.constant 0 : index
    %get3A_105 = arith.constant 0 : index
    %get3A_106 = vector.load %arg6[%get3A_103, %get3A_104, %get3A_105] : memref<1x128x768xf32, #tpu.memory_space<vmem>>, vector<1x128x768xf32>
    %get3A_107 = vector.shape_cast %get3A_106 : vector<1x128x768xf32> to vector<128x768xf32>
    %get3A_108 = arith.constant 0 : index
    %get3A_109 = arith.constant 0 : index
    %get3A_110 = arith.constant 0 : index
    %get3A_111 = vector.load %arg7[%get3A_108, %get3A_109, %get3A_110] : memref<1x128x768xf32, #tpu.memory_space<vmem>>, vector<1x128x768xf32>
    %get3A_112 = vector.shape_cast %get3A_111 : vector<1x128x768xf32> to vector<128x768xf32>
    %mul3A_113 = vector.broadcast %concatenate3A : vector<128x1xf32> to vector<128x768xf32>
    %mul3A_114 = arith.mulf %get3A_112, %mul3A_113 : vector<128x768xf32>
    %convert_element_type3A = arith.truncf %get3A_107 : vector<128x768xf32> to vector<128x768xbf16>
    %convert_element_type3A_115 = arith.truncf %mul3A_114 : vector<128x768xf32> to vector<128x768xbf16>
    %dot_general3A = arith.constant dense<0.000000e+00> : vector<768x768xf32>
    %dot_general3A_116 = tpu.matmul %convert_element_type3A, %convert_element_type3A_115, %dot_general3A {dimension_numbers = #tpu.dot_dimension_numbers<[0], [0], [1], [1], [0, 1, 1, 1], [], []>, transpose_lhs_hint = false} : vector<128x768xbf16>, vector<128x768xbf16>, vector<768x768xf32> -> vector<768x768xf32>
    %get3A_117 = arith.constant 0 : index
    %get3A_118 = arith.constant 0 : index
    %get3A_119 = vector.load %arg4[%get3A_117, %get3A_118] : memref<768x768xf32, #tpu.memory_space<vmem>>, vector<768x768xf32>
    %add3A_120 = arith.addf %get3A_119, %dot_general3A_116 : vector<768x768xf32>
    %convert_element_type3A_121 = arith.truncf %add3A_120 : vector<768x768xf32> to vector<768x768xbf16>
    %get3A_122 = arith.constant 0 : index
    %get3A_123 = arith.constant 0 : index
    %get3A_124 = arith.constant 0 : index
    %get3A_125 = vector.load %arg3[%get3A_122, %get3A_123, %get3A_124] : memref<1x2048x768xf32, #tpu.memory_space<vmem>>, vector<1x2048x768xf32>
    %get3A_126 = vector.shape_cast %get3A_125 : vector<1x2048x768xf32> to vector<2048x768xf32>
    %convert_element_type3A_127 = arith.truncf %get3A_126 : vector<2048x768xf32> to vector<2048x768xbf16>
    %dot_general3A_128 = arith.constant dense<0.000000e+00> : vector<2048x768xf32>
    %dot_general3A_129 = tpu.matmul %convert_element_type3A_127, %convert_element_type3A_121, %dot_general3A_128 {dimension_numbers = #tpu.dot_dimension_numbers<[1], [0], [0], [1], [0, 0, 1, 1], [], []>, transpose_lhs_hint = false} : vector<2048x768xbf16>, vector<768x768xbf16>, vector<2048x768xf32> -> vector<2048x768xf32>
    %add3A_130 = vector.broadcast %add3A_102 : vector<1x768xf32> to vector<2048x768xf32>
    %add3A_131 = arith.addf %dot_general3A_129, %add3A_130 : vector<2048x768xf32>
    %swap3A = arith.constant 0 : index
    %swap3A_132 = arith.constant 0 : index
    %swap3A_133 = arith.constant 0 : index
    %swap3A_134 = vector.load %arg9[%swap3A, %swap3A_132, %swap3A_133] : memref<1x2048x768xf32, #tpu.memory_space<vmem>>, vector<1x2048x768xf32>
    %swap3A_135 = vector.shape_cast %swap3A_134 : vector<1x2048x768xf32> to vector<2048x768xf32>
    %swap3A_136 = vector.shape_cast %add3A_131 : vector<2048x768xf32> to vector<1x2048x768xf32>
    tpu.vector_store %arg9[%swap3A, %swap3A_132, %swap3A_133], %swap3A_136 {strides = array<i32>} : memref<1x2048x768xf32, #tpu.memory_space<vmem>>, vector<1x2048x768xf32>,
    return
  }
  func.func @transform_0(%arg0: i32) -> (i32, i32) {
    %c0_i32 = arith.constant 0 : i32
    %c0_i32_0 = arith.constant 0 : i32
    %c0_i32_1 = arith.constant 0 : i32
    return %c0_i32, %c0_i32_0 : i32, i32
  }
  func.func @transform_1(%arg0: i32) -> (i32, i32) {
    %c0_i32 = arith.constant 0 : i32
    %c0_i32_0 = arith.constant 0 : i32
    %c0_i32_1 = arith.constant 0 : i32
    return %c0_i32, %c0_i32_0 : i32, i32
  }
  func.func @transform_2(%arg0: i32) -> (i32, i32, i32) {
    %c0_i32 = arith.constant 0 : i32
    %c0_i32_0 = arith.constant 0 : i32
    %c0_i32_1 = arith.constant 0 : i32
    return %arg0, %c0_i32, %c0_i32_0 : i32, i32, i32
  }
  func.func @transform_3(%arg0: i32) -> (i32, i32) {
    %c0_i32 = arith.constant 0 : i32
    %c0_i32_0 = arith.constant 0 : i32
    %c0_i32_1 = arith.constant 0 : i32
    return %c0_i32, %c0_i32_0 : i32, i32
  }
  func.func @transform_4(%arg0: i32) -> (i32, i32) {
    %c0_i32 = arith.constant 0 : i32
    %c0_i32_0 = arith.constant 0 : i32
    %c0_i32_1 = arith.constant 0 : i32
    return %c0_i32, %c0_i32_0 : i32, i32
  }
  func.func @transform_5(%arg0: i32) -> (i32, i32, i32) {
    %c0_i32 = arith.constant 0 : i32
    %c0_i32_0 = arith.constant 0 : i32
    %c0_i32_1 = arith.constant 0 : i32
    return %arg0, %c0_i32, %c0_i32_0 : i32, i32, i32
  }
  func.func @transform_6(%arg0: i32) -> (i32, i32, i32) {
    %c0_i32 = arith.constant 0 : i32
    %c0_i32_0 = arith.constant 0 : i32
    %c0_i32_1 = arith.constant 0 : i32
    return %arg0, %c0_i32, %c0_i32_0 : i32, i32, i32
  }
  func.func @transform_7(%arg0: i32) -> (i32, i32) {
    %c0_i32 = arith.constant 0 : i32
    %c0_i32_0 = arith.constant 0 : i32
    %c0_i32_1 = arith.constant 0 : i32
    return %c0_i32, %c0_i32_0 : i32, i32
  }
  func.func @transform_8(%arg0: i32) -> (i32, i32, i32) {
    %c0_i32 = arith.constant 0 : i32
    %c0_i32_0 = arith.constant 0 : i32
    %c0_i32_1 = arith.constant 0 : i32
    return %arg0, %c0_i32, %c0_i32_0 : i32, i32, i32
  }
}

</mosaic_0001>

<sc_bundles>
// kernel: _run.4.cloned.1.call-start
scs
__scs_entry_jumppad:
0x0: {  	(pc) =	sbr.rel $0x88, $3  }
0x1: {  	(tag) =	ssettag $0x0;
	lr =	simm.s32 $0x1  }
0x2: {  	[smem:$0x3F99] =	sst lr;
	_ =	strace $0xD0000000  }
0x3: {  	_ = 	snop  }
0x4: {  	_ = 	snop  }
0x5: {  	_ = 	snop  }
0x6: {  	_ = 	snop  }
0x7: {  	_ = 	snop  }
__scs_overlays_trampoline_lowered:
0x8: {  	[smem:$0x3FA8] =	sst s0  }
0x9: {  	[smem:$0x3FA9] =	sst s1  }
0xa: {  	[smem:$0x3FAA] =	sst s2  }
0xb: {  	[smem:$0x3FAB] =	sst s3  }
0xc: {  	[smem:$0x3FAC] =	sst s4  }
0xd: {  	[smem:$0x3FAD] =	sst s5  }
0xe: {  	[smem:$0x3FAE] =	sst s6  }
0xf: {  	[smem:$0x3FAF] =	sst s7  }
0x10: {  	[smem:$0x3FB0] =	sst s8  }
0x11: {  	[smem:$0x3FB1] =	sst s9;
	s0 =	simm.s32 @!p0 $0x0  }
0x12: {  	s1 =	sld [smem:$0x3F97];
	s0 =	simm.s32 @p0 $0x1  }
0x13: {  	[smem:$0x3FB2] =	sst s0;
	s0 =	simm.s32 @!p1 $0x0  }
0x14: {  	s2 =	sld [smem:$0x3F96];
	s0 =	simm.s32 @p1 $0x1  }
0x15: {  	[smem:$0x3FB3] =	sst s0;
	s0 =	simm.s32 @!p2 $0x0  }
0x16: {  	s3 =	sld [smem:$0x3FDB];
	s0 =	simm.s32 @p2 $0x1  }
0x17: {  	s4 =	simm.s32 $0x1BF5;
	[smem:$0x3FB5] =	sst s0  }
0x18: {  	s0 =	sld [smem:$0x3F98];
	_ =	swait.ge [sflag:s4], $0x0  }
0x19: {  	s7 =	sld [smem:$0x3F99]  }
0x1a: {  	s8 =	sadd.s32 $0xFFFFE003, lr  }
0x1b: {  	s9 =	sadd.s32 $0xFFFFFEF7, lr;
	s5 =	simm.s32 $0xFFFFFFFF;
	p2 =	slt.u32 s8, $0xFFFFF086  }
0x1c: {  	p1 =	slt.u32 s9, $0xF7A;
	s5 =	simm.s32 @!p2 $0x0  }
0x1d: {  	s5 =	simm.s32 @p1 $0x1;
	p0 =	seq.s32 s7, s2  }
0x1e: {  	s7 =	smul.u32 @!p0 $0xF7A, s2;
	p2 =	seq.s32 @!p0 s5, $0x0  }
0x1f: {  	s9 =	smul.u32 $0xF7A, s1;
	s8 =	simm.s32 @!p0 $0x1BF5;
	p2 =	por !p2, p0  }
0x20: {  	[sflag:s8] =	ssyncset.s32 @!p0 $0xFFFFF086;
	s6 =	sadd.s32 @!p0 s3, s7;
	s7 =	simm.s32 @!p0 $0x108  }
0x21: {  	s3 =	sadd.s32 s3, s9;
	s6 =	sadd.s32 @!p0 $0x88, s6;
	s7 =	simm.s32 @p2 $0x1082  }
0x22: {  	[simem:s7], [sflag:s8] =	dma.local @!p0 [hbm:s6], $0xF7A  }
0x23: {  	s9 =	sor.u32 $0xD0000000, s2;
	s6 =	simm.s32 $0x108;
	_ =	swait.ge @!p0 [sflag:s8], $0x0  }
0x24: {  	s3 =	sadd.s32 $0x88, s3;
	s6 =	simm.s32 @!p1 $0x1082;
	[sflag:s4] =	ssyncset.s32 $0xFFFFF086  }
0x25: {  	[simem:s6], [sflag:s4] =	dma.local [hbm:s3], $0xF7A  }
0x26: {  	[smem:$0x3F99] =	sst s1;
	(tag) =	ssettag s2;
	_ =	strace s9  }
0x27: {  	s1 =	sld [smem:$0x3FA9]  }
0x28: {  	s2 =	sld [smem:$0x3FAA]  }
0x29: {  	s4 =	sld [smem:$0x3FAC]  }
0x2a: {  	p0 =	seq.s32 s5, $0x0;
	s5 =	sld [smem:$0x3FAD]  }
0x2b: {  	s6 =	sld [smem:$0x3FAE]  }
0x2c: {  	s7 =	sld [smem:$0x3FAF]  }
0x2d: {  	s3 =	simm.s32 $0x108;
	s8 =	sld [smem:$0x3FB0]  }
0x2e: {  	s3 =	simm.s32 @!p0 $0x1082;
	s9 =	sld [smem:$0x3FB1]  }
0x2f: {  	lr =	sadd.s32 s0, s3;
	s0 =	sld [smem:$0x3FA8]  }
0x30: {  	s3 =	sld [smem:$0x3FAB]  }
0x31: {  	[smem:$0x3FB4] =	sst s10  }
0x32: {  	s10 =	sld [smem:$0x3FB2];
	_ =	sdelay $0x3  }
0x33: {  	p0 =	seq.s32 s10, $0x1;
	s10 =	sld [smem:$0x3FB4];
	_ =	sdelay $0x3  }
0x34: {  	[smem:$0x3FB4] =	sst s10  }
0x35: {  	s10 =	sld [smem:$0x3FB3];
	_ =	sdelay $0x3  }
0x36: {  	p1 =	seq.s32 s10, $0x1;
	s10 =	sld [smem:$0x3FB4];
	_ =	sdelay $0x3  }
0x37: {  	[smem:$0x3FB4] =	sst s10  }
0x38: {  	s10 =	sld [smem:$0x3FB5]  }
0x39: {  	_ = 	snop;
	(pc) =	sbr.ind lr, $3  }
0x3a: {  	_ = 	snop  }
0x3b: {  	_ = 	snop  }
0x3c: {  	p2 =	seq.s32 s10, $0x1;
	s10 =	sld [smem:$0x3FB4]  }
0x3d: {  	_ =	shalt  }
0x3e: {  	_ =	shalt  }
0x3f: {  	_ =	shalt  }
0x40: {  	_ =	shalt  }
0x41: {  	_ =	shalt  }
0x42: {  	_ =	shalt  }
0x43: {  	_ =	shalt  }
0x44: {  	_ =	shalt  }
0x45: {  	_ =	shalt  }
0x46: {  	_ =	shalt  }
0x47: {  	_ =	shalt  }
0x48: {  	_ =	shalt  }
0x49: {  	_ =	shalt  }
0x4a: {  	_ =	shalt  }
0x4b: {  	_ =	shalt  }
0x4c: {  	_ =	shalt  }
0x4d: {  	_ =	shalt  }
0x4e: {  	_ =	shalt  }
0x4f: {  	_ =	shalt  }
0x50: {  	_ =	shalt  }
0x51: {  	_ =	shalt  }
0x52: {  	_ =	shalt  }
0x53: {  	_ =	shalt  }
0x54: {  	_ =	shalt  }
0x55: {  	_ =	shalt  }
0x56: {  	_ =	shalt  }
0x57: {  	_ =	shalt  }
0x58: {  	_ =	shalt  }
0x59: {  	_ =	shalt  }
0x5a: {  	_ =	shalt  }
0x5b: {  	_ =	shalt  }
0x5c: {  	_ =	shalt  }
0x5d: {  	_ =	shalt  }
0x5e: {  	_ =	shalt  }
0x5f: {  	_ =	shalt  }
0x60: {  	_ =	shalt  }
0x61: {  	_ =	shalt  }
0x62: {  	_ =	shalt  }
0x63: {  	_ =	shalt  }
0x64: {  	_ =	shalt  }
0x65: {  	_ =	shalt  }
0x66: {  	_ =	shalt  }
0x67: {  	_ =	shalt  }
0x68: {  	_ =	shalt  }
0x69: {  	_ =	shalt  }
0x6a: {  	_ =	shalt  }
0x6b: {  	_ =	shalt  }
0x6c: {  	_ =	shalt  }
0x6d: {  	_ =	shalt  }
0x6e: {  	_ =	shalt  }
0x6f: {  	_ =	shalt  }
0x70: {  	_ =	shalt  }
0x71: {  	_ =	shalt  }
0x72: {  	_ =	shalt  }
0x73: {  	_ =	shalt  }
0x74: {  	_ =	shalt  }
0x75: {  	_ =	shalt  }
0x76: {  	_ =	shalt  }
0x77: {  	_ =	shalt  }
0x78: {  	_ =	shalt  }
0x79: {  	_ =	shalt  }
0x7a: {  	_ =	shalt  }
0x7b: {  	_ =	shalt  }
0x7c: {  	_ =	shalt  }
0x7d: {  	_ =	shalt  }
0x7e: {  	_ =	shalt  }
0x7f: {  	_ =	shalt  }
0x80: {  	_ =	shalt  }
0x81: {  	_ =	shalt  }
0x82: {  	_ =	shalt  }
0x83: {  	_ =	shalt  }
0x84: {  	_ =	shalt  }
0x85: {  	_ =	shalt  }
0x86: {  	_ =	shalt  }
0x87: {  	_ =	shalt  }
.Lfunc_end0:
.L_simem_size_0:
called_computation_lowered:
.L_overlay_start_0:
0x88: {  	s2 =	sld [smem:$0x3FD9]  }
0x89: {  	s3 =	sld [smem:$0x3FFE];
	_ =	sdelay $0x1  }
0x8a: {  	s1 =	srdreg.scid  }
0x8b: {  	s0 =	sand.u32 $0x1, s1  }
0x8c: {  	s17 =	sshll.u32 s0, $0xA;
	s2 =	sadd.s32 s3, s2  }
0x8d: {  	s2 =	sadd.s32 s2, s17  }
0x8e: {  	[smem:$0x3FC0] =	sst s2  }
0x8f: {  	_ = 	snop  }
0x90: {  	s2 =	sld [smem:$0x3FC4]  }
0x91: {  	s18 =	sld [smem:$0x3FC3]  }
0x92: {  	s4 =	sld [smem:$0x3FD0];
	(tm) =	ssettm $0x1  }
0x93: {  	s5 =	sld [smem:$0x3FFB];
	_ =	sdelay $0x3  }
0x94: {  	_ =	strace s5  }
0x95: {  	s5 =	sld [smem:$0x3FFC];
	_ =	sdelay $0x3  }
0x96: {  	_ =	strace s5  }
0x97: {  	s5 =	sld [smem:$0x3FFD];
	_ =	sdelay $0x3  }
0x98: {  	_ =	strace s5  }
0x99: {  	_ =	strace $0x8FFFFFFF  }
0x9a: {  	s19 =	sld [smem:$0x3FDB];
	_ =	sdelay $0x1  }
0x9b: {  	s6 =	simm.s32 $_scs_section_size  }
0x9c: {  	s7 =	simm.s32 $_size__tile_overlayer_lowered;
	s8 =	simm.s32 $_tile_overlayer_lowered  }
0x9d: {  	s22 =	simm.s32 $0x1BFF;
	s21 =	sshll.u32 s8, $0x1;
	s5 =	sadd.s32 s6, s19  }
0x9e: {  	s9 =	simm.s32 $0x0;
	s20 =	sshll.u32 s7, $0x1;
	s7 =	sadd.s32 s21, s5  }
0x9f: {  	[timem:s9], [sflag:s22] =	dma.local [hbm:s7], s20  }
0xa0: {  	_ =	swait.ge [sflag:s22], s20  }
0xa1: {  	s6 =	ssub.s32 $0x0, s20;
	[sflag:s22] =	ssyncset.done $0x0  }
0xa2: {  	[sflag:s22] =	ssyncadd.s32 s6;
	_ =	sdelay $0x1  }
0xa3: {  	s23 =	simm.s32 $0x1B8B  }
0xa4: {  	_ =	swait.ge [sflag:s23], $0x1  }
0xa5: {  	[sflag:s23] =	ssyncset.done $0x0  }
0xa6: {  	s25 =	simm.s32 $0x1B8E;
	s24 =	sld [smem:$0x3FFE];
	[sflag:s23] =	ssyncadd.s32 $0xFFFFFFFF  }
0xa7: {  	s26 =	simm.s32 $execute0_lowered;
	[smem:$0x3FD2] =	sst s25  }
0xa8: {  	s7 =	sshll.u32 s26, $0x1;
	_ =	strace $0x80000046;
	[dreg:$0x1] =	wrdreg $0xFFFFFFFF  }
0xa9: {  	s28 =	simm.s32 $_size_execute0_lowered;
	s5 =	sadd.s32 s5, s7;
	[dreg:$0x0] =	wrdreg $0x0  }
0xaa: {  	s7 =	sshll.u32 s28, $0x1;
	[dreg:$0x2] =	wrdreg s5  }
0xab: {  	[dreg:$0x3] =	wrdreg s7  }
0xac: {  	[dreg:$0x4] =	wrdreg $0xC0  }
0xad: {  	_ =	task [dreg:s9], $0x5FFFF  }
0xae: {  	[dreg:$0x1] =	wrdreg $0xFFFFFFFF  }
0xaf: {  	[dreg:$0x0] =	wrdreg $0x60  }
0xb0: {  	[dreg:$0x2] =	wrdreg s24  }
0xb1: {  	[dreg:$0x3] =	wrdreg s2  }
0xb2: {  	[dreg:$0x4] =	wrdreg s18  }
0xb3: {  	[dreg:$0x5] =	wrdreg s4  }
0xb4: {  	[dreg:$0x6] =	wrdreg $0x9  }
0xb5: {  	_ =	task.clear_ibuf [dreg:s9], $0x7FFFF;
	_ =	strace $0x90000046  }
0xb6: {  	s29 =	simm.s32 $0x9;
	_ =	strace $0x80000048  }
0xb7: {  	_ =	swait.ge [sflag:s29], $0x1  }
0xb8: {  	[sflag:s29] =	ssyncadd.s32 $0xFFFFFFFF  }
0xb9: {  	_ =	strace $0x90000048  }
0xba: {  	_ =	sfence  }
0xbb: {  	s30 =	sld [smem:$0x0];
	_ =	sdelay $0x2  }
0xbc: {  	s31 =	sshll.u32 s1, $0xD;
	s1 =	sshrl.u32 s1, $0x2  }
0xbd: {  	s3 =	sand.u32 $0x4000, s31;
	s1 =	sadd.s32 s1, s30  }
0xbe: {  	s0 =	sor.u32 s3, s0;
	s1 =	sshll.u32 s1, $0x11  }
0xbf: {  	s0 =	sor.u32 s1, s0  }
0xc0: {  	s0 =	sadd.s32 $0x8F2B, s0  }
0xc1: {  	[sflag:s0] =	ssyncadd.remote.s32 $0x1  }
0xc2: {  	_ =	sfence.sel $0xFFFF  }
0xc3: {  	[dreg:$0x0] =	wrdreg $0xFFFFFFFF;
	(pc) =	sbr.abs _section_cstart, $3  }
0xc4: {  	[dreg:$0x1] =	wrdreg $0xFFFFFFFF  }
0xc5: {  	_ =	task.clear_ibuf [dreg:s9], $0x2FFFF;
	_ =	strace $0x9FFFFFFF  }
0xc6: {  	(tm) =	ssettm $0x7FFFFFFF  }
0xc7: {  	_ =	shalt  }
tec
execute0_lowered:
.L_overlay_start_1:
0x0: {  	(tag) =	ssettag $0x1  }
0x1: {  	s5 =	rddreg [dreg:$0x0]  }
0x2: {  	s1 =	rddreg [dreg:$0x1]  }
0x3: {  	s2 =	srdreg.scid;
	s3 =	rddreg [dreg:$0x2]  }
0x4: {  	s0 =	stileid.u32;
	s8 =	rddreg [dreg:$0x3]  }
0x5: {  	s4 =	simm.s32 $0x0;
	s13 =	simm.s32 $0x2;
	s14 =	simm.s32 $0x80  }
0x6: {  	s15 =	simm.s32 $0x880;
	s16 =	simm.s32 $0x1080;
	s17 =	simm.s32 $0x1880  }
0x7: {  	s18 =	simm.s32 $0x2080;
	s19 =	simm.s32 $0x2880;
	s20 =	simm.s32 $0x1  }
0x8: {  	s21 =	simm.s32 $0x3080;
	s22 =	simm.s32 $0x3880;
	s23 =	simm.s32 $0x4080  }
0x9: {  	s24 =	simm.s32 $0x4880;
	s25 =	simm.s32 $0x5080;
	s26 =	simm.s32 $0x5880  }
0xa: {  	s6 =	sand.u32 $0x1, s2;
	s7 =	sshll.u32 s0, $0x2;
	s2 =	rddreg [dreg:$0x4]  }
0xb: {  	[smem:$0x7FF] =	sst s4;
	s9 =	sshll.u32 s6, $0x1;
	s6 =	ssub.s32 $0x2, s6  }
0xc: {  	_ =	strace $0x80000047;
	s7 =	sor.u32 s9, s7;
	s10 =	sshrl.u32 s6, $0x1  }
0xd: {  	s9 =	smul.u32 $0x300, s7;
	s7 =	sadd.s32 s7, s5;
	s12 =	ssub.s32 s6, s10  }
0xe: {  	v2 =	vlaneseq.u32;
	s6 =	sadd.s32 $0x100, s1;
	s10 =	sadd.s32 $0x200, s3;
	s12 =	smax.u32 s12, $0x1  }
0xf: {  	vm0 =	vmmov $0xffff;
	v1 =	vshrl.u32 v2, $0x3;
	s11 =	sadd.s32 s9, s5;
	s5 =	sadd.s32 $0x1600, s7;
	s7 =	sadd.s32 $0x200, s1  }
0x10: {  	v0 =	vand.u32 $0x7, v2;
	v2 =	vor.u32 $0x8, v2;
	v1 =	vmul.u32 $0x8, v1;
	s8 =	sadd.s32 s8, s9;
	s9 =	sadd.s32 $0x100, s3;
	s11 =	sadd.s32 $0x1800, s11  }
.LBB2_1:
0x11: {  	[tilespmem:s4], [sflag:$0x2] =	stream.linear.gather [hbm4b:s5+s4], $0x10, $0x38;
	[tilespmem:$0x6080] =	vst v63  }
0x12: {  	_ =	swait.ge [sflag:s13], $0x10  }
0x13: {  	[sflag:s13] =	ssyncset.done $0x0  }
0x14: {  	[sflag:s13] =	ssyncadd.s32 $0xFFFFFFF0  }
0x15: {  	v3 =	vld [tilespmem:$0x0];
	_ =	sdelay $0x4  }
0x16: {  	v4 =	vshrl.u32 v3, $0x3  }
0x17: {  	v4 =	vmul.u32 $0x30, v4  }
0x18: {  	v3 =	vand.u32 $0x7, v3  }
0x19: {  	v3 =	vor.u32 v3, v4  }
0x1a: {  	v4 =	vperm.xlane v3, v0;
	_ =	sdelay $0x1  }
0x1b: {  	v4 =	vadd.s32 v1, v4;
	_ =	sdelay $0x3  }
0x1c: {  	v3 =	vperm.xlane v3, v2  }
0x1d: {  	[tilespmem:s14], [sflag:$0x1] =	stream.indirect_vreg.gather [hbm4b:s1+s4], $0x80, v4, vm0, $0xb8;
	[tilespmem:$0x6080] =	vst v63  }
0x1e: {  	v3 =	vadd.s32 v1, v3  }
0x1f: {  	[tilespmem:s15], [sflag:$0x1] =	stream.indirect_vreg.gather [hbm4b:s6+s4], $0x80, v4, vm0, $0xb8;
	[tilespmem:$0x6080] =	vst v63  }
0x20: {  	_ = 	snop  }
0x21: {  	[tilespmem:s16], [sflag:$0x1] =	stream.indirect_vreg.gather [hbm4b:s7+s4], $0x80, v4, vm0, $0xb8;
	[tilespmem:$0x6080] =	vst v63  }
0x22: {  	_ = 	snop  }
0x23: {  	[tilespmem:s17], [sflag:$0x1] =	stream.indirect_vreg.gather [hbm4b:s1+s4], $0x80, v3, vm0, $0xb8;
	[tilespmem:$0x6080] =	vst v63  }
0x24: {  	_ = 	snop  }
0x25: {  	[tilespmem:s18], [sflag:$0x1] =	stream.indirect_vreg.gather [hbm4b:s6+s4], $0x80, v3, vm0, $0xb8;
	[tilespmem:$0x6080] =	vst v63  }
0x26: {  	_ = 	snop  }
0x27: {  	[tilespmem:s19], [sflag:$0x1] =	stream.indirect_vreg.gather [hbm4b:s7+s4], $0x80, v3, vm0, $0xb8;
	[tilespmem:$0x6080] =	vst v63  }
0x28: {  	_ =	swait.ge [sflag:s20], $0x3000  }
0x29: {  	[sflag:s20] =	ssyncset.done $0x0  }
0x2a: {  	[sflag:s20] =	ssyncadd.s32 $0xFFFFD000  }
0x2b: {  	[hbm4b:s8+s4] =	stream.linear.scatter [tilespmem:s14], [sflag:$0x2], $0x3000, $0x38;
	[tilespmem:$0x6080] =	vst v63  }
0x2c: {  	_ =	swait.ge [sflag:s13], $0x3000  }
0x2d: {  	[sflag:s13] =	ssyncset.done $0x0  }
0x2e: {  	[sflag:s13] =	ssyncadd.s32 $0xFFFFD000  }
0x2f: {  	v3 =	vld [tilespmem:$0x0];
	_ =	sdelay $0x4  }
0x30: {  	v63 =	vshrl.u32 v3, $0x3  }
0x31: {  	v4 =	vmul.u32 $0x30, v63  }
0x32: {  	v3 =	vand.u32 $0x7, v3  }
0x33: {  	v3 =	vor.u32 v3, v4  }
0x34: {  	v4 =	vperm.xlane v3, v0;
	_ =	sdelay $0x1  }
0x35: {  	v4 =	vadd.s32 v1, v4;
	_ =	sdelay $0x3  }
0x36: {  	v3 =	vperm.xlane v3, v2  }
0x37: {  	[tilespmem:s21], [sflag:$0x1] =	stream.indirect_vreg.gather [hbm4b:s3+s4], $0x80, v4, vm0, $0xb8;
	[tilespmem:$0x6080] =	vst v63  }
0x38: {  	v3 =	vadd.s32 v1, v3  }
0x39: {  	[tilespmem:s22], [sflag:$0x1] =	stream.indirect_vreg.gather [hbm4b:s9+s4], $0x80, v4, vm0, $0xb8;
	[tilespmem:$0x6080] =	vst v63  }
0x3a: {  	_ = 	snop  }
0x3b: {  	[tilespmem:s23], [sflag:$0x1] =	stream.indirect_vreg.gather [hbm4b:s10+s4], $0x80, v4, vm0, $0xb8;
	[tilespmem:$0x6080] =	vst v63  }
0x3c: {  	_ = 	snop  }
0x3d: {  	[tilespmem:s24], [sflag:$0x1] =	stream.indirect_vreg.gather [hbm4b:s3+s4], $0x80, v3, vm0, $0xb8;
	[tilespmem:$0x6080] =	vst v63  }
0x3e: {  	_ = 	snop  }
0x3f: {  	[tilespmem:s25], [sflag:$0x1] =	stream.indirect_vreg.gather [hbm4b:s9+s4], $0x80, v3, vm0, $0xb8;
	[tilespmem:$0x6080] =	vst v63  }
0x40: {  	_ = 	snop  }
0x41: {  	[tilespmem:s26], [sflag:$0x1] =	stream.indirect_vreg.gather [hbm4b:s10+s4], $0x80, v3, vm0, $0xb8;
	[tilespmem:$0x6080] =	vst v63  }
0x42: {  	_ =	swait.ge [sflag:s20], $0x3000  }
0x43: {  	p0 =	sne.s32 s12, $0x1;
	[sflag:s20] =	ssyncset.done $0x0  }
.Ltmp0:
0x44: {  	[sflag:s20] =	ssyncadd.s32 $0xFFFFD000;
	(pc) =	sbr.rel @p0 .LBB2_1-.Ltmp0, $4  }
0x45: {  	[hbm4b:s11+s4] =	stream.linear.scatter [tilespmem:s21], [sflag:$0x2], $0x3000, $0x38;
	[tilespmem:$0x6080] =	vst v63  }
0x46: {  	_ =	swait.ge [sflag:s13], $0x3000  }
0x47: {  	[sflag:s13] =	ssyncset.done $0x0  }
0x48: {  	s12 =	sadd.s32 $0xFFFFFFFF, s12;
	[sflag:s13] =	ssyncadd.s32 $0xFFFFD000  }
0x49: {  	_ =	sfence.sel $0x180000  }
0x4a: {  	[bflag:$0x0] =	sbarrier.arrive $0xFFFF  }
0x4b: {  	p0 =	sne.s32 s0, $0x0;
	_ =	strace $0x90000047  }
0x4c: {  	s0 =	sadd.s32 @!p0 $0x100000, s2;
	[bflag:$0x2] =	sbarrier.arrive $0xFFFF  }
0x4d: {  	[sflag:s0] =	ssyncadd.tile.s32 @!p0 $0x1;
	_ =	shalt  }
.Lfunc_end2:
_tile_overlayer_lowered:
.L_overlay_start_2:
0x4e: {  	(tag) =	ssettag $0x2  }
0x4f: {  	s0 =	rddreg [dreg:$0x0];
	s2 =	stileid.u32  }
0x50: {  	s1 =	rddreg [dreg:$0x1];
	p0 =	sne.s32 s2, $0x0  }
0x51: {  	s3 =	rddreg [dreg:$0x2];
	[bflag:$0x3] =	sbarrier.arrive $0xFFFF;
	s2 =	simm.s32 @!p0 $0x1C02  }
0x52: {  	[timem:s3], [sflag:s2] =	dma.local @!p0 [hbm:s0], s1  }
0x53: {  	s0 =	simm.s32 @!p0 $0x2  }
0x54: {  	_ =	swait.ge @!p0 [sflag:s0], s1  }
0x55: {  	s1 =	ssub.s32 @!p0 $0x0, s1;
	[sflag:s0] =	ssyncset.done @!p0 $0x0  }
0x56: {  	[sflag:s0] =	ssyncadd.s32 @!p0 s1  }
0x57: {  	[bflag:$0x3] =	sbarrier.arrive $0xFFFF  }
0x58: {  	_ =	shalt  }

</sc_bundles>
